<compile_context>
chip_gen: v7x
topology: tpu7x:2x2x1
jax: 0.10.2.dev20260603
libtpu: 0.0.44.dev20260713+nightly
codegen_flags: <defaults>
</compile_context>

<pallas_src>
import functools
import math

import jax
import jax.numpy as jnp
from jax import lax
from jax.experimental import pallas as pl
from jax.experimental.pallas import tpu as pltpu
from jax.experimental.pallas import tpu_sc as plsc

N = 10000
E = 320000
C = 128
M = 64
CH = C // 2
NS = 16
NP = 10240
STRIPE = NP // NS
EPT = E // NS
K = 80
NCHUNK = EPT // K
DEGW = 16


def _sc_agg_build():
    mesh = plsc.VectorSubcoreMesh(core_axis_name="c", subcore_axis_name="s")

    @functools.partial(
        pl.kernel,
        mesh=mesh,
        compiler_params=pltpu.CompilerParams(use_tc_tiling_on_sc=False),
        out_type=[
            jax.ShapeDtypeStruct((2, NP, CH), jnp.float32),
            jax.ShapeDtypeStruct((2, NP, DEGW), jnp.float32),
        ],
        scratch_types=[
            pltpu.VMEM_SHARED((NP, CH), jnp.float32),
            pltpu.VMEM_SHARED((NP, DEGW), jnp.float32),
            pltpu.VMEM((NCHUNK, K), jnp.int32),
            pltpu.VMEM((NCHUNK, K), jnp.int32),
            pltpu.VMEM((K, CH), jnp.float32),
            pltpu.VMEM((K, DEGW), jnp.float32),
        ],
    )
    def sc_agg(h2, srcr, dstr, ones_h, zeros_h, zeros_d, agg_out, deg_out,
               sh_agg, sh_deg, src_slab, dst_slab, rows, ones_v):
        c = lax.axis_index("c")
        s = lax.axis_index("s")
        base = s * STRIPE
        pltpu.sync_copy(srcr.at[s], src_slab)
        pltpu.sync_copy(dstr.at[s], dst_slab)
        pltpu.sync_copy(ones_h, ones_v)
        pltpu.sync_copy(zeros_h, sh_agg.at[pl.ds(base, STRIPE)])
        pltpu.sync_copy(zeros_d, sh_deg.at[pl.ds(base, STRIPE)])
        plsc.subcore_barrier()

        half = NCHUNK // 2

        def body(j, carry):
            pltpu.sync_copy(h2.at[c].at[src_slab.at[j]], rows)
            pltpu.sync_copy(rows, sh_agg.at[dst_slab.at[j]], add=True)
            do_deg = jnp.where(c == 0, j < half, j >= half)

            @pl.when(do_deg)
            def _():
                pltpu.sync_copy(ones_v, sh_deg.at[dst_slab.at[j]], add=True)

            return carry

        lax.fori_loop(0, NCHUNK, body, 0)
        plsc.subcore_barrier()
        pltpu.sync_copy(sh_agg.at[pl.ds(base, STRIPE)],
                        agg_out.at[c, pl.ds(base, STRIPE)])
        pltpu.sync_copy(sh_deg.at[pl.ds(base, STRIPE)],
                        deg_out.at[c, pl.ds(base, STRIPE)])

    return sc_agg


_sc_agg = _sc_agg_build()


def _tc_spectral(u_ref, h_ref, w_ref, o_ref, acc_ref):
    i = pl.program_id(0)

    @pl.when(i == 0)
    def _():
        acc_ref[...] = jnp.zeros_like(acc_ref)

    acc_ref[...] += lax.dot_general(
        u_ref[...], h_ref[...], (((0,), (0,)), ((), ())),
        preferred_element_type=jnp.float32)

    @pl.when(i == pl.num_programs(0) - 1)
    def _():
        hh = acc_ref[...]
        o_ref[...] = jnp.sum(hh[:, :, None] * w_ref[...], axis=1)


def _tc_epilogue(h_ref, u_ref, oh_ref, agg_ref, deg_ref, w_ref, b_ref,
                 g_ref, bb_ref, out_ref):
    spec = lax.dot_general(u_ref[...], oh_ref[...], (((1,), (0,)), ((), ())),
                           preferred_element_type=jnp.float32)
    deg = deg_ref[0, :, 0:1] + deg_ref[1, :, 0:1]
    inv = 1.0 / jnp.maximum(deg, 1.0)
    lo = agg_ref[0] * inv
    hi = agg_ref[1] * inv
    local = (
        lax.dot_general(lo, w_ref[:, :CH], (((1,), (1,)), ((), ())),
                        preferred_element_type=jnp.float32)
        + lax.dot_general(hi, w_ref[:, CH:], (((1,), (1,)), ((), ())),
                          preferred_element_type=jnp.float32)
        + b_ref[...]
    )
    x = h_ref[...] + spec + local
    mu = jnp.mean(x, axis=-1, keepdims=True)
    xc = x - mu
    var = jnp.mean(xc * xc, axis=-1, keepdims=True)
    xn = xc * lax.rsqrt(var + 1e-5) * g_ref[...] + bb_ref[...]
    out_ref[...] = 0.5 * xn * (1.0 + lax.erf(xn * (1.0 / math.sqrt(2.0))))


def kernel(h, edge_index, U0, ptr, W_spec, lin_W, lin_b, ln_g, ln_b):
    del ptr
    src = edge_index[0].reshape(NS, NCHUNK, K)
    dst = edge_index[1].reshape(NS, NCHUNK, K)
    hp = jnp.pad(h, ((0, NP - N), (0, 0)))
    h2 = jnp.stack([hp[:, :CH], hp[:, CH:]])
    ones_h = jnp.ones((K, DEGW), jnp.float32)
    zeros_h = jnp.zeros((STRIPE, CH), jnp.float32)
    zeros_d = jnp.zeros((STRIPE, DEGW), jnp.float32)

    agg2, deg2 = _sc_agg(h2, src, dst, ones_h, zeros_h, zeros_d)

    RB = 1000
    nb = N // RB
    out_hat = pl.pallas_call(
        _tc_spectral,
        grid=(nb,),
        in_specs=[
            pl.BlockSpec((RB, M), lambda i: (i, 0)),
            pl.BlockSpec((RB, C), lambda i: (i, 0)),
            pl.BlockSpec((M, C, C), lambda i: (0, 0, 0)),
        ],
        out_specs=pl.BlockSpec((M, C), lambda i: (0, 0)),
        out_shape=jax.ShapeDtypeStruct((M, C), jnp.float32),
        scratch_shapes=[pltpu.VMEM((M, C), jnp.float32)],
    )(U0, h, W_spec)

    out = pl.pallas_call(
        _tc_epilogue,
        grid=(nb,),
        in_specs=[
            pl.BlockSpec((RB, C), lambda i: (i, 0)),
            pl.BlockSpec((RB, M), lambda i: (i, 0)),
            pl.BlockSpec((M, C), lambda i: (0, 0)),
            pl.BlockSpec((2, RB, CH), lambda i: (0, i, 0)),
            pl.BlockSpec((2, RB, DEGW), lambda i: (0, i, 0)),
            pl.BlockSpec((C, C), lambda i: (0, 0)),
            pl.BlockSpec((1, C), lambda i: (0, 0)),
            pl.BlockSpec((1, C), lambda i: (0, 0)),
            pl.BlockSpec((1, C), lambda i: (0, 0)),
        ],
        out_specs=pl.BlockSpec((RB, C), lambda i: (i, 0)),
        out_shape=jax.ShapeDtypeStruct((N, C), jnp.float32),
    )(h, U0, out_hat, agg2, deg2, lin_W, lin_b.reshape(1, C),
      ln_g.reshape(1, C), ln_b.reshape(1, C))
    return out

# --- scband reference (transcript-rebuilt; emitter-appended) ---
"""Pipeline reference for scband-gfnoblock-6107443494944 (READ-ONLY COPY).

The authoritative reference and input builder live on the scoring server;
editing this copy changes nothing except your own understanding.
"""

import jax, jax.numpy as jnp
import numpy as np

N = 10000
E = 320000
C = 128
M = 64


def setup_inputs(seed: int = 0) -> dict:
    key = jax.random.key(seed)
    k1, k2, k3, k4, k5, k6 = jax.random.split(key, 6)
    h = jax.random.normal(k1, (N, C), dtype=jnp.float32)
    edge_index = jax.random.randint(k2, (2, E), 0, N, dtype=jnp.int32)
    U0 = jax.random.normal(k3, (N, M), dtype=jnp.float32) * 0.01
    ptr = jnp.array([0, N], dtype=jnp.int32)
    W_spec = jax.random.normal(k4, (M, C, C), dtype=jnp.float32) * 0.02
    lin_W = jax.random.normal(k5, (C, C), dtype=jnp.float32) * (1.0 / np.sqrt(C))
    lin_b = jax.random.normal(k6, (C,), dtype=jnp.float32) * 0.01
    ln_g = jnp.ones((C,), dtype=jnp.float32)
    ln_b = jnp.zeros((C,), dtype=jnp.float32)
    return {"h": h, "edge_index": edge_index, "U0": U0, "ptr": ptr,
            "W_spec": W_spec, "lin_W": lin_W, "lin_b": lin_b,
            "ln_g": ln_g, "ln_b": ln_b}


def reference(h, edge_index, U0, ptr, W_spec, lin_W, lin_b, ln_g, ln_b):
    # GraphSpectralConv.forward with B=1 graph covering all nodes (ptr=[0, N])
    m = min(U0.shape[1], W_spec.shape[0])
    U = U0[:, :m]
    W = W_spec[:m]
    h_hat = U.T @ h                                  # [m, C]
    out_hat = jnp.einsum('mc,mco->mo', h_hat, W)     # [m, C]
    spec = U @ out_hat                               # [N, C]
    # LocalMeanAgg: gather on src, scatter-add on dst, degree-normalize, linear
    src = edge_index[0]
    dst = edge_index[1]
    n = h.shape[0]
    agg = jax.ops.segment_sum(h[src], dst, num_segments=n)
    deg = jax.ops.segment_sum(jnp.ones((dst.shape[0],), dtype=h.dtype), dst, num_segments=n)
    deg = jnp.clip(deg, 1.0, None)[:, None]
    local = (agg / deg) @ lin_W.T + lin_b
    # residual + LayerNorm + GELU (torch F.gelu is exact erf form)
    x = h + spec + local
    mu = jnp.mean(x, axis=-1, keepdims=True)
    var = jnp.var(x, axis=-1, keepdims=True)
    xn = (x - mu) / jnp.sqrt(var + 1e-5) * ln_g + ln_b
    return jax.nn.gelu(xn, approximate=False)

if __name__ == "__main__":
    import jax
    _d = setup_inputs()
    print(jax.jit(kernel)(*tuple(_d.values())))

</pallas_src>

<mosaic_0001>
#map = affine_map<(d0, d1) -> (0, 0, 0)>
#map1 = affine_map<(d0, d1) -> (0, 0)>
module attributes {stable_mosaic.version = 14 : i64} {
  func.func @sc_agg(%arg0: i32, %arg1: i32, %arg2: memref<2x10240x64xf32, #tpu.memory_space<hbm>>, %arg3: memref<16x250x80xi32, #tpu.memory_space<hbm>>, %arg4: memref<16x250x80xi32, #tpu.memory_space<hbm>>, %arg5: memref<80x16xf32, #tpu.memory_space<hbm>>, %arg6: memref<640x64xf32, #tpu.memory_space<hbm>>, %arg7: memref<640x16xf32, #tpu.memory_space<hbm>>, %arg8: memref<2x10240x64xf32, #tpu.memory_space<hbm>>, %arg9: memref<2x10240x16xf32, #tpu.memory_space<hbm>>, %arg10: memref<10240x64xf32, #tpu.memory_space<vmem_shared>>, %arg11: memref<10240x16xf32, #tpu.memory_space<vmem_shared>>, %arg12: memref<250x80xi32, #tpu.memory_space<vmem>>, %arg13: memref<250x80xi32, #tpu.memory_space<vmem>>, %arg14: memref<80x64xf32, #tpu.memory_space<vmem>>, %arg15: memref<80x16xf32, #tpu.memory_space<vmem>>) attributes {dimension_semantics = [#tpu.dimension_semantics<core_parallel>, #tpu.dimension_semantics<subcore_parallel>], iteration_bounds = array<i64: 2, 16>, scalar_prefetch = 0 : i64, scratch_operands = 6 : i64, tpu.core_type = #tpu.core_type<sc_vector_subcore>, window_params = [{transform_indices = #map}, {transform_indices = #map}, {transform_indices = #map}, {transform_indices = #map1}, {transform_indices = #map1}, {transform_indices = #map1}, {transform_indices = #map}, {transform_indices = #map}]} {
    %mul3A = arith.constant 640 : i32
    %mul3A_0 = arith.muli %arg1, %mul3A : i32
    "tpu.region"() ({
      %run_scoped3A = tpu.sem_alloc : memref<!tpu.dma_semaphore, #tpu.memory_space<semaphore_mem>>
      %dma_start3A = arith.constant 0 : i32
      %dma_start3A_7 = arith.constant 0 : i32
      %dma_start3A_8 = tpu.memref_slice %arg3[%arg1, %dma_start3A, %dma_start3A_7] : memref<16x250x80xi32, #tpu.memory_space<hbm>> -> memref<1x250x80xi32, #tpu.memory_space<hbm>>
      %dma_start3A_9 = tpu.memref_squeeze %dma_start3A_8 : memref<1x250x80xi32, #tpu.memory_space<hbm>> -> memref<250x80xi32, #tpu.memory_space<hbm>>
      %dma_start3A_10 = arith.constant 0 : i32
      %dma_start3A_11 = arith.constant 0 : i32
      %dma_start3A_12 = tpu.memref_slice %arg3[%arg1, %dma_start3A_10, %dma_start3A_11] : memref<16x250x80xi32, #tpu.memory_space<hbm>> -> memref<1x250x80xi32, #tpu.memory_space<hbm>>
      %dma_start3A_13 = tpu.memref_squeeze %dma_start3A_12 : memref<1x250x80xi32, #tpu.memory_space<hbm>> -> memref<250x80xi32, #tpu.memory_space<hbm>>
      tpu.enqueue_dma source(%dma_start3A_13 : memref<250x80xi32, #tpu.memory_space<hbm>>) target(%arg12 : memref<250x80xi32, #tpu.memory_space<vmem>>) target_semaphore(%run_scoped3A : memref<!tpu.dma_semaphore, #tpu.memory_space<semaphore_mem>>)
      %dma_wait3A = arith.constant 0 : i32
      %dma_wait3A_14 = arith.constant 0 : i32
      %dma_wait3A_15 = tpu.memref_slice %arg3[%arg1, %dma_wait3A, %dma_wait3A_14] : memref<16x250x80xi32, #tpu.memory_space<hbm>> -> memref<1x250x80xi32, #tpu.memory_space<hbm>>
      %dma_wait3A_16 = tpu.memref_squeeze %dma_wait3A_15 : memref<1x250x80xi32, #tpu.memory_space<hbm>> -> memref<250x80xi32, #tpu.memory_space<hbm>>
      %dma_wait3A_17 = arith.constant 0 : i32
      %dma_wait3A_18 = arith.constant 0 : i32
      %dma_wait3A_19 = tpu.memref_slice %arg3[%arg1, %dma_wait3A_17, %dma_wait3A_18] : memref<16x250x80xi32, #tpu.memory_space<hbm>> -> memref<1x250x80xi32, #tpu.memory_space<hbm>>
      %dma_wait3A_20 = tpu.memref_squeeze %dma_wait3A_19 : memref<1x250x80xi32, #tpu.memory_space<hbm>> -> memref<250x80xi32, #tpu.memory_space<hbm>>
      tpu.wait_dma2 semaphore(%run_scoped3A : memref<!tpu.dma_semaphore, #tpu.memory_space<semaphore_mem>>) src(%dma_wait3A_20 : memref<250x80xi32, #tpu.memory_space<hbm>>) dst(%arg12 : memref<250x80xi32, #tpu.memory_space<vmem>>)
      tpu.yield
    }) : () -> ()
    "tpu.region"() ({
      %run_scoped3A = tpu.sem_alloc : memref<!tpu.dma_semaphore, #tpu.memory_space<semaphore_mem>>
      %dma_start3A = arith.constant 0 : i32
      %dma_start3A_7 = arith.constant 0 : i32
      %dma_start3A_8 = tpu.memref_slice %arg4[%arg1, %dma_start3A, %dma_start3A_7] : memref<16x250x80xi32, #tpu.memory_space<hbm>> -> memref<1x250x80xi32, #tpu.memory_space<hbm>>
      %dma_start3A_9 = tpu.memref_squeeze %dma_start3A_8 : memref<1x250x80xi32, #tpu.memory_space<hbm>> -> memref<250x80xi32, #tpu.memory_space<hbm>>
      %dma_start3A_10 = arith.constant 0 : i32
      %dma_start3A_11 = arith.constant 0 : i32
      %dma_start3A_12 = tpu.memref_slice %arg4[%arg1, %dma_start3A_10, %dma_start3A_11] : memref<16x250x80xi32, #tpu.memory_space<hbm>> -> memref<1x250x80xi32, #tpu.memory_space<hbm>>
      %dma_start3A_13 = tpu.memref_squeeze %dma_start3A_12 : memref<1x250x80xi32, #tpu.memory_space<hbm>> -> memref<250x80xi32, #tpu.memory_space<hbm>>
      tpu.enqueue_dma source(%dma_start3A_13 : memref<250x80xi32, #tpu.memory_space<hbm>>) target(%arg13 : memref<250x80xi32, #tpu.memory_space<vmem>>) target_semaphore(%run_scoped3A : memref<!tpu.dma_semaphore, #tpu.memory_space<semaphore_mem>>)
      %dma_wait3A = arith.constant 0 : i32
      %dma_wait3A_14 = arith.constant 0 : i32
      %dma_wait3A_15 = tpu.memref_slice %arg4[%arg1, %dma_wait3A, %dma_wait3A_14] : memref<16x250x80xi32, #tpu.memory_space<hbm>> -> memref<1x250x80xi32, #tpu.memory_space<hbm>>
      %dma_wait3A_16 = tpu.memref_squeeze %dma_wait3A_15 : memref<1x250x80xi32, #tpu.memory_space<hbm>> -> memref<250x80xi32, #tpu.memory_space<hbm>>
      %dma_wait3A_17 = arith.constant 0 : i32
      %dma_wait3A_18 = arith.constant 0 : i32
      %dma_wait3A_19 = tpu.memref_slice %arg4[%arg1, %dma_wait3A_17, %dma_wait3A_18] : memref<16x250x80xi32, #tpu.memory_space<hbm>> -> memref<1x250x80xi32, #tpu.memory_space<hbm>>
      %dma_wait3A_20 = tpu.memref_squeeze %dma_wait3A_19 : memref<1x250x80xi32, #tpu.memory_space<hbm>> -> memref<250x80xi32, #tpu.memory_space<hbm>>
      tpu.wait_dma2 semaphore(%run_scoped3A : memref<!tpu.dma_semaphore, #tpu.memory_space<semaphore_mem>>) src(%dma_wait3A_20 : memref<250x80xi32, #tpu.memory_space<hbm>>) dst(%arg13 : memref<250x80xi32, #tpu.memory_space<vmem>>)
      tpu.yield
    }) : () -> ()
    "tpu.region"() ({
      %run_scoped3A = tpu.sem_alloc : memref<!tpu.dma_semaphore, #tpu.memory_space<semaphore_mem>>
      tpu.enqueue_dma source(%arg5 : memref<80x16xf32, #tpu.memory_space<hbm>>) target(%arg15 : memref<80x16xf32, #tpu.memory_space<vmem>>) target_semaphore(%run_scoped3A : memref<!tpu.dma_semaphore, #tpu.memory_space<semaphore_mem>>)
      tpu.wait_dma2 semaphore(%run_scoped3A : memref<!tpu.dma_semaphore, #tpu.memory_space<semaphore_mem>>) src(%arg5 : memref<80x16xf32, #tpu.memory_space<hbm>>) dst(%arg15 : memref<80x16xf32, #tpu.memory_space<vmem>>)
      tpu.yield
    }) : () -> ()
    "tpu.region"() ({
      %run_scoped3A = tpu.sem_alloc : memref<!tpu.dma_semaphore, #tpu.memory_space<semaphore_mem>>
      %dma_start3A = arith.constant 0 : i32
      %dma_start3A_7 = tpu.memref_slice %arg10[%mul3A_0, %dma_start3A] : memref<10240x64xf32, #tpu.memory_space<vmem_shared>> -> memref<640x64xf32, #tpu.memory_space<vmem_shared>>
      tpu.enqueue_dma source(%arg6 : memref<640x64xf32, #tpu.memory_space<hbm>>) target(%dma_start3A_7 : memref<640x64xf32, #tpu.memory_space<vmem_shared>>) target_semaphore(%run_scoped3A : memref<!tpu.dma_semaphore, #tpu.memory_space<semaphore_mem>>)
      %dma_wait3A = arith.constant 0 : i32
      %dma_wait3A_8 = tpu.memref_slice %arg10[%mul3A_0, %dma_wait3A] : memref<10240x64xf32, #tpu.memory_space<vmem_shared>> -> memref<640x64xf32, #tpu.memory_space<vmem_shared>>
      tpu.wait_dma2 semaphore(%run_scoped3A : memref<!tpu.dma_semaphore, #tpu.memory_space<semaphore_mem>>) src(%arg6 : memref<640x64xf32, #tpu.memory_space<hbm>>) dst(%dma_wait3A_8 : memref<640x64xf32, #tpu.memory_space<vmem_shared>>)
      tpu.yield
    }) : () -> ()
    "tpu.region"() ({
      %run_scoped3A = tpu.sem_alloc : memref<!tpu.dma_semaphore, #tpu.memory_space<semaphore_mem>>
      %dma_start3A = arith.constant 0 : i32
      %dma_start3A_7 = tpu.memref_slice %arg11[%mul3A_0, %dma_start3A] : memref<10240x16xf32, #tpu.memory_space<vmem_shared>> -> memref<640x16xf32, #tpu.memory_space<vmem_shared>>
      tpu.enqueue_dma source(%arg7 : memref<640x16xf32, #tpu.memory_space<hbm>>) target(%dma_start3A_7 : memref<640x16xf32, #tpu.memory_space<vmem_shared>>) target_semaphore(%run_scoped3A : memref<!tpu.dma_semaphore, #tpu.memory_space<semaphore_mem>>)
      %dma_wait3A = arith.constant 0 : i32
      %dma_wait3A_8 = tpu.memref_slice %arg11[%mul3A_0, %dma_wait3A] : memref<10240x16xf32, #tpu.memory_space<vmem_shared>> -> memref<640x16xf32, #tpu.memory_space<vmem_shared>>
      tpu.wait_dma2 semaphore(%run_scoped3A : memref<!tpu.dma_semaphore, #tpu.memory_space<semaphore_mem>>) src(%arg7 : memref<640x16xf32, #tpu.memory_space<hbm>>) dst(%dma_wait3A_8 : memref<640x16xf32, #tpu.memory_space<vmem_shared>>)
      tpu.yield
    }) : () -> ()
    %barrier3A = arith.constant 0 : index
    tpu.barrier barrier_id(%barrier3A)
    %scan3A = arith.constant 0 : i32
    %scan3A_1 = arith.constant 0 : i32
    %scan3A_2 = arith.constant 250 : i32
    %scan3A_3 = arith.addi %scan3A_1, %scan3A_2 : i32
    %scan3A_4 = arith.constant 1 : i32
    scf.for %scan3A_7 = %scan3A_1 to %scan3A_3 step %scan3A_4  : i32 {
      "tpu.region"() ({
        %run_scoped3A = tpu.sem_alloc : memref<!tpu.dma_semaphore, #tpu.memory_space<semaphore_mem>>
        %dma_start3A = arith.constant 0 : i32
        %dma_start3A_12 = tpu.memref_slice %arg12[%scan3A_7, %dma_start3A] : memref<250x80xi32, #tpu.memory_space<vmem>> -> memref<1x80xi32, #tpu.memory_space<vmem>>
        %dma_start3A_13 = tpu.memref_squeeze %dma_start3A_12 : memref<1x80xi32, #tpu.memory_space<vmem>> -> memref<80xi32, #tpu.memory_space<vmem>>
        %dma_start3A_14 = arith.constant 0 : i32
        %dma_start3A_15 = arith.constant 0 : i32
        %dma_start3A_16 = tpu.memref_slice %arg2[%arg0, %dma_start3A_14, %dma_start3A_15] : memref<2x10240x64xf32, #tpu.memory_space<hbm>> -> memref<1x10240x64xf32, #tpu.memory_space<hbm>>
        %dma_start3A_17 = tpu.memref_squeeze %dma_start3A_16 : memref<1x10240x64xf32, #tpu.memory_space<hbm>> -> memref<10240x64xf32, #tpu.memory_space<hbm>>
        %dma_start3A_18 = arith.constant 0 : i32
        %dma_start3A_19 = arith.constant 0 : i32
        %dma_start3A_20 = tpu.memref_slice %dma_start3A_17[%dma_start3A_18, %dma_start3A_19] : memref<10240x64xf32, #tpu.memory_space<hbm>> -> memref<10240x64xf32, #tpu.memory_space<hbm>>
        tpu.enqueue_indirect_dma source(%dma_start3A_20 : memref<10240x64xf32, #tpu.memory_space<hbm>>) target(%arg14 : memref<80x64xf32, #tpu.memory_space<vmem>>) offsets(%dma_start3A_13 : memref<80xi32, #tpu.memory_space<vmem>>) semaphore(%run_scoped3A : memref<!tpu.dma_semaphore, #tpu.memory_space<semaphore_mem>>)
        %dma_wait3A = arith.constant 0 : i32
        %dma_wait3A_21 = tpu.memref_slice %arg12[%scan3A_7, %dma_wait3A] : memref<250x80xi32, #tpu.memory_space<vmem>> -> memref<1x80xi32, #tpu.memory_space<vmem>>
        %dma_wait3A_22 = tpu.memref_squeeze %dma_wait3A_21 : memref<1x80xi32, #tpu.memory_space<vmem>> -> memref<80xi32, #tpu.memory_space<vmem>>
        %dma_wait3A_23 = arith.constant 0 : i32
        %dma_wait3A_24 = arith.constant 0 : i32
        %dma_wait3A_25 = tpu.memref_slice %arg2[%arg0, %dma_wait3A_23, %dma_wait3A_24] : memref<2x10240x64xf32, #tpu.memory_space<hbm>> -> memref<1x10240x64xf32, #tpu.memory_space<hbm>>
        %dma_wait3A_26 = tpu.memref_squeeze %dma_wait3A_25 : memref<1x10240x64xf32, #tpu.memory_space<hbm>> -> memref<10240x64xf32, #tpu.memory_space<hbm>>
        %dma_wait3A_27 = arith.constant 0 : i32
        %dma_wait3A_28 = arith.constant 0 : i32
        %dma_wait3A_29 = tpu.memref_slice %dma_wait3A_26[%dma_wait3A_27, %dma_wait3A_28] : memref<10240x64xf32, #tpu.memory_space<hbm>> -> memref<10240x64xf32, #tpu.memory_space<hbm>>
        tpu.wait_indirect_dma semaphore(%run_scoped3A : memref<!tpu.dma_semaphore, #tpu.memory_space<semaphore_mem>>) src(%dma_wait3A_29 : memref<10240x64xf32, #tpu.memory_space<hbm>>) dst(%arg14 : memref<80x64xf32, #tpu.memory_space<vmem>>)
        tpu.yield
      }) : () -> ()
      "tpu.region"() ({
        %run_scoped3A = tpu.sem_alloc : memref<!tpu.dma_semaphore, #tpu.memory_space<semaphore_mem>>
        %dma_start3A = arith.constant 0 : i32
        %dma_start3A_12 = tpu.memref_slice %arg13[%scan3A_7, %dma_start3A] : memref<250x80xi32, #tpu.memory_space<vmem>> -> memref<1x80xi32, #tpu.memory_space<vmem>>
        %dma_start3A_13 = tpu.memref_squeeze %dma_start3A_12 : memref<1x80xi32, #tpu.memory_space<vmem>> -> memref<80xi32, #tpu.memory_space<vmem>>
        %dma_start3A_14 = arith.constant 0 : i32
        %dma_start3A_15 = arith.constant 0 : i32
        %dma_start3A_16 = tpu.memref_slice %arg10[%dma_start3A_14, %dma_start3A_15] : memref<10240x64xf32, #tpu.memory_space<vmem_shared>> -> memref<10240x64xf32, #tpu.memory_space<vmem_shared>>
        tpu.enqueue_indirect_dma source(%arg14 : memref<80x64xf32, #tpu.memory_space<vmem>>) target(%dma_start3A_16 : memref<10240x64xf32, #tpu.memory_space<vmem_shared>>) offsets(%dma_start3A_13 : memref<80xi32, #tpu.memory_space<vmem>>) semaphore(%run_scoped3A : memref<!tpu.dma_semaphore, #tpu.memory_space<semaphore_mem>>) {add = true}
        %dma_wait3A = arith.constant 0 : i32
        %dma_wait3A_17 = tpu.memref_slice %arg13[%scan3A_7, %dma_wait3A] : memref<250x80xi32, #tpu.memory_space<vmem>> -> memref<1x80xi32, #tpu.memory_space<vmem>>
        %dma_wait3A_18 = tpu.memref_squeeze %dma_wait3A_17 : memref<1x80xi32, #tpu.memory_space<vmem>> -> memref<80xi32, #tpu.memory_space<vmem>>
        %dma_wait3A_19 = arith.constant 0 : i32
        %dma_wait3A_20 = arith.constant 0 : i32
        %dma_wait3A_21 = tpu.memref_slice %arg10[%dma_wait3A_19, %dma_wait3A_20] : memref<10240x64xf32, #tpu.memory_space<vmem_shared>> -> memref<10240x64xf32, #tpu.memory_space<vmem_shared>>
        tpu.wait_indirect_dma semaphore(%run_scoped3A : memref<!tpu.dma_semaphore, #tpu.memory_space<semaphore_mem>>) src(%arg14 : memref<80x64xf32, #tpu.memory_space<vmem>>) dst(%dma_wait3A_21 : memref<10240x64xf32, #tpu.memory_space<vmem_shared>>)
        tpu.yield
      }) : () -> ()
      %eq3A = arith.constant 0 : i32
      %eq3A_8 = arith.cmpi eq, %arg0, %eq3A : i32
      %lt3A = arith.constant 125 : i32
      %lt3A_9 = arith.cmpi slt, %scan3A_7, %lt3A : i32
      %ge3A = arith.constant 125 : i32
      %ge3A_10 = arith.cmpi sge, %scan3A_7, %ge3A : i32
      %select_n3A = arith.select %eq3A_8, %lt3A_9, %ge3A_10 : i1
      %convert_element_type3A = arith.extui %select_n3A : i1 to i32
      %cond3A = arith.constant 0 : i32
      %cond3A_11 = arith.cmpi ne, %convert_element_type3A, %cond3A : i32
      scf.if %cond3A_11 {
        "tpu.region"() ({
          %run_scoped3A = tpu.sem_alloc : memref<!tpu.dma_semaphore, #tpu.memory_space<semaphore_mem>>
          %dma_start3A = arith.constant 0 : i32
          %dma_start3A_12 = tpu.memref_slice %arg13[%scan3A_7, %dma_start3A] : memref<250x80xi32, #tpu.memory_space<vmem>> -> memref<1x80xi32, #tpu.memory_space<vmem>>
          %dma_start3A_13 = tpu.memref_squeeze %dma_start3A_12 : memref<1x80xi32, #tpu.memory_space<vmem>> -> memref<80xi32, #tpu.memory_space<vmem>>
          %dma_start3A_14 = arith.constant 0 : i32
          %dma_start3A_15 = arith.constant 0 : i32
          %dma_start3A_16 = tpu.memref_slice %arg11[%dma_start3A_14, %dma_start3A_15] : memref<10240x16xf32, #tpu.memory_space<vmem_shared>> -> memref<10240x16xf32, #tpu.memory_space<vmem_shared>>
          tpu.enqueue_indirect_dma source(%arg15 : memref<80x16xf32, #tpu.memory_space<vmem>>) target(%dma_start3A_16 : memref<10240x16xf32, #tpu.memory_space<vmem_shared>>) offsets(%dma_start3A_13 : memref<80xi32, #tpu.memory_space<vmem>>) semaphore(%run_scoped3A : memref<!tpu.dma_semaphore, #tpu.memory_space<semaphore_mem>>) {add = true}
          %dma_wait3A = arith.constant 0 : i32
          %dma_wait3A_17 = tpu.memref_slice %arg13[%scan3A_7, %dma_wait3A] : memref<250x80xi32, #tpu.memory_space<vmem>> -> memref<1x80xi32, #tpu.memory_space<vmem>>
          %dma_wait3A_18 = tpu.memref_squeeze %dma_wait3A_17 : memref<1x80xi32, #tpu.memory_space<vmem>> -> memref<80xi32, #tpu.memory_space<vmem>>
          %dma_wait3A_19 = arith.constant 0 : i32
          %dma_wait3A_20 = arith.constant 0 : i32
          %dma_wait3A_21 = tpu.memref_slice %arg11[%dma_wait3A_19, %dma_wait3A_20] : memref<10240x16xf32, #tpu.memory_space<vmem_shared>> -> memref<10240x16xf32, #tpu.memory_space<vmem_shared>>
          tpu.wait_indirect_dma semaphore(%run_scoped3A : memref<!tpu.dma_semaphore, #tpu.memory_space<semaphore_mem>>) src(%arg15 : memref<80x16xf32, #tpu.memory_space<vmem>>) dst(%dma_wait3A_21 : memref<10240x16xf32, #tpu.memory_space<vmem_shared>>)
          tpu.yield
        }) : () -> ()
      } else {
      }
    }
    %scan3A_5 = arith.constant 250 : i32
    %barrier3A_6 = arith.constant 0 : index
    tpu.barrier barrier_id(%barrier3A_6)
    "tpu.region"() ({
      %run_scoped3A = tpu.sem_alloc : memref<!tpu.dma_semaphore, #tpu.memory_space<semaphore_mem>>
      %dma_start3A = arith.constant 0 : i32
      %dma_start3A_7 = tpu.memref_slice %arg8[%arg0, %mul3A_0, %dma_start3A] : memref<2x10240x64xf32, #tpu.memory_space<hbm>> -> memref<1x640x64xf32, #tpu.memory_space<hbm>>
      %dma_start3A_8 = tpu.memref_squeeze %dma_start3A_7 : memref<1x640x64xf32, #tpu.memory_space<hbm>> -> memref<640x64xf32, #tpu.memory_space<hbm>>
      %dma_start3A_9 = arith.constant 0 : i32
      %dma_start3A_10 = tpu.memref_slice %arg10[%mul3A_0, %dma_start3A_9] : memref<10240x64xf32, #tpu.memory_space<vmem_shared>> -> memref<640x64xf32, #tpu.memory_space<vmem_shared>>
      tpu.enqueue_dma source(%dma_start3A_10 : memref<640x64xf32, #tpu.memory_space<vmem_shared>>) target(%dma_start3A_8 : memref<640x64xf32, #tpu.memory_space<hbm>>) target_semaphore(%run_scoped3A : memref<!tpu.dma_semaphore, #tpu.memory_space<semaphore_mem>>)
      %dma_wait3A = arith.constant 0 : i32
      %dma_wait3A_11 = tpu.memref_slice %arg8[%arg0, %mul3A_0, %dma_wait3A] : memref<2x10240x64xf32, #tpu.memory_space<hbm>> -> memref<1x640x64xf32, #tpu.memory_space<hbm>>
      %dma_wait3A_12 = tpu.memref_squeeze %dma_wait3A_11 : memref<1x640x64xf32, #tpu.memory_space<hbm>> -> memref<640x64xf32, #tpu.memory_space<hbm>>
      %dma_wait3A_13 = arith.constant 0 : i32
      %dma_wait3A_14 = tpu.memref_slice %arg10[%mul3A_0, %dma_wait3A_13] : memref<10240x64xf32, #tpu.memory_space<vmem_shared>> -> memref<640x64xf32, #tpu.memory_space<vmem_shared>>
      tpu.wait_dma2 semaphore(%run_scoped3A : memref<!tpu.dma_semaphore, #tpu.memory_space<semaphore_mem>>) src(%dma_wait3A_14 : memref<640x64xf32, #tpu.memory_space<vmem_shared>>) dst(%dma_wait3A_12 : memref<640x64xf32, #tpu.memory_space<hbm>>)
      tpu.yield
    }) : () -> ()
    "tpu.region"() ({
      %run_scoped3A = tpu.sem_alloc : memref<!tpu.dma_semaphore, #tpu.memory_space<semaphore_mem>>
      %dma_start3A = arith.constant 0 : i32
      %dma_start3A_7 = tpu.memref_slice %arg9[%arg0, %mul3A_0, %dma_start3A] : memref<2x10240x16xf32, #tpu.memory_space<hbm>> -> memref<1x640x16xf32, #tpu.memory_space<hbm>>
      %dma_start3A_8 = tpu.memref_squeeze %dma_start3A_7 : memref<1x640x16xf32, #tpu.memory_space<hbm>> -> memref<640x16xf32, #tpu.memory_space<hbm>>
      %dma_start3A_9 = arith.constant 0 : i32
      %dma_start3A_10 = tpu.memref_slice %arg11[%mul3A_0, %dma_start3A_9] : memref<10240x16xf32, #tpu.memory_space<vmem_shared>> -> memref<640x16xf32, #tpu.memory_space<vmem_shared>>
      tpu.enqueue_dma source(%dma_start3A_10 : memref<640x16xf32, #tpu.memory_space<vmem_shared>>) target(%dma_start3A_8 : memref<640x16xf32, #tpu.memory_space<hbm>>) target_semaphore(%run_scoped3A : memref<!tpu.dma_semaphore, #tpu.memory_space<semaphore_mem>>)
      %dma_wait3A = arith.constant 0 : i32
      %dma_wait3A_11 = tpu.memref_slice %arg9[%arg0, %mul3A_0, %dma_wait3A] : memref<2x10240x16xf32, #tpu.memory_space<hbm>> -> memref<1x640x16xf32, #tpu.memory_space<hbm>>
      %dma_wait3A_12 = tpu.memref_squeeze %dma_wait3A_11 : memref<1x640x16xf32, #tpu.memory_space<hbm>> -> memref<640x16xf32, #tpu.memory_space<hbm>>
      %dma_wait3A_13 = arith.constant 0 : i32
      %dma_wait3A_14 = tpu.memref_slice %arg11[%mul3A_0, %dma_wait3A_13] : memref<10240x16xf32, #tpu.memory_space<vmem_shared>> -> memref<640x16xf32, #tpu.memory_space<vmem_shared>>
      tpu.wait_dma2 semaphore(%run_scoped3A : memref<!tpu.dma_semaphore, #tpu.memory_space<semaphore_mem>>) src(%dma_wait3A_14 : memref<640x16xf32, #tpu.memory_space<vmem_shared>>) dst(%dma_wait3A_12 : memref<640x16xf32, #tpu.memory_space<hbm>>)
      tpu.yield
    }) : () -> ()
    return
  }
}

module attributes {stable_mosaic.version = 14 : i64} {
  func.func @_tc_spectral(%arg0: i32, %arg1: memref<1000x64xf32, #tpu.memory_space<vmem>>, %arg2: memref<1000x128xf32, #tpu.memory_space<vmem>>, %arg3: memref<64x128x128xf32, #tpu.memory_space<vmem>>, %arg4: memref<64x128xf32, #tpu.memory_space<vmem>>, %arg5: memref<64x128xf32, #tpu.memory_space<vmem>>) attributes {dimension_semantics = [#tpu.dimension_semantics<arbitrary>], iteration_bounds = array<i64: 10>, scalar_prefetch = 0 : i64, scratch_operands = 1 : i64, tpu.core_type = #tpu.core_type<tc>, window_params = [{transform_indices = @transform_0, window_bounds = array<i64: 1000, 64>}, {transform_indices = @transform_1, window_bounds = array<i64: 1000, 128>}, {pipeline_mode = #tpu.pipeline_mode<synchronous>, transform_indices = @transform_2, window_bounds = array<i64: 64, 128, 128>}, {pipeline_mode = #tpu.pipeline_mode<synchronous>, transform_indices = @transform_3, window_bounds = array<i64: 64, 128>}]} {
    %eq3A = arith.constant 0 : i32
    %eq3A_0 = arith.cmpi eq, %arg0, %eq3A : i32
    %convert_element_type3A = arith.extui %eq3A_0 : i1 to i32
    %cond3A = arith.constant 0 : i32
    %cond3A_1 = arith.cmpi ne, %convert_element_type3A, %cond3A : i32
    scf.if %cond3A_1 {
      %broadcast_in_dim3A = arith.constant 0.000000e+00 : f32
      %broadcast_in_dim3A_18 = vector.broadcast %broadcast_in_dim3A : f32 to vector<64x128xf32>
      %swap3A_19 = arith.constant 0 : index
      %swap3A_20 = arith.constant 0 : index
      %swap3A_21 = vector.load %arg5[%swap3A_19, %swap3A_20] : memref<64x128xf32, #tpu.memory_space<vmem>>, vector<64x128xf32>
      tpu.vector_store %arg5[%swap3A_19, %swap3A_20], %broadcast_in_dim3A_18 {strides = array<i32>} : memref<64x128xf32, #tpu.memory_space<vmem>>, vector<64x128xf32>,
    } else {
    }
    %get3A = arith.constant 0 : index
    %get3A_2 = arith.constant 0 : index
    %get3A_3 = vector.load %arg5[%get3A, %get3A_2] : memref<64x128xf32, #tpu.memory_space<vmem>>, vector<64x128xf32>
    %get3A_4 = arith.constant 0 : index
    %get3A_5 = arith.constant 0 : index
    %get3A_6 = vector.load %arg1[%get3A_4, %get3A_5] : memref<1000x64xf32, #tpu.memory_space<vmem>>, vector<1000x64xf32>
    %get3A_7 = arith.constant 0 : index
    %get3A_8 = arith.constant 0 : index
    %get3A_9 = vector.load %arg2[%get3A_7, %get3A_8] : memref<1000x128xf32, #tpu.memory_space<vmem>>, vector<1000x128xf32>
    %dot_general3A = arith.constant dense<0.000000e+00> : vector<64x128xf32>
    %dot_general3A_10 = tpu.matmul %get3A_6, %get3A_9, %dot_general3A {dimension_numbers = #tpu.dot_dimension_numbers<[0], [0], [1], [1], [0, 1, 1, 1], [], []>, transpose_lhs_hint = false} : vector<1000x64xf32>, vector<1000x128xf32>, vector<64x128xf32> -> vector<64x128xf32>
    %add3A = arith.addf %get3A_3, %dot_general3A_10 : vector<64x128xf32>
    %swap3A = arith.constant 0 : index
    %swap3A_11 = arith.constant 0 : index
    %swap3A_12 = vector.load %arg5[%swap3A, %swap3A_11] : memref<64x128xf32, #tpu.memory_space<vmem>>, vector<64x128xf32>
    tpu.vector_store %arg5[%swap3A, %swap3A_11], %add3A {strides = array<i32>} : memref<64x128xf32, #tpu.memory_space<vmem>>, vector<64x128xf32>,
    %eq3A_13 = arith.constant 9 : i32
    %eq3A_14 = arith.cmpi eq, %arg0, %eq3A_13 : i32
    %convert_element_type3A_15 = arith.extui %eq3A_14 : i1 to i32
    %cond3A_16 = arith.constant 0 : i32
    %cond3A_17 = arith.cmpi ne, %convert_element_type3A_15, %cond3A_16 : i32
    scf.if %cond3A_17 {
      %get3A_18 = arith.constant 0 : index
      %get3A_19 = arith.constant 0 : index
      %get3A_20 = vector.load %arg5[%get3A_18, %get3A_19] : memref<64x128xf32, #tpu.memory_space<vmem>>, vector<64x128xf32>
      %broadcast_in_dim3A = vector.shape_cast %get3A_20 : vector<64x128xf32> to vector<64x128x1xf32>
      %get3A_21 = arith.constant 0 : index
      %get3A_22 = arith.constant 0 : index
      %get3A_23 = arith.constant 0 : index
      %get3A_24 = vector.load %arg3[%get3A_21, %get3A_22, %get3A_23] : memref<64x128x128xf32, #tpu.memory_space<vmem>>, vector<64x128x128xf32>
      %mul3A = vector.broadcast %broadcast_in_dim3A : vector<64x128x1xf32> to vector<64x128x128xf32>
      %mul3A_25 = arith.mulf %mul3A, %get3A_24 : vector<64x128x128xf32>
      %reduce_sum3A = arith.constant dense<0.000000e+00> : vector<64x128xf32>
      %reduce_sum3A_26 = vector.multi_reduction <add>, %mul3A_25, %reduce_sum3A [1] : vector<64x128x128xf32> to vector<64x128xf32>
      %swap3A_27 = arith.constant 0 : index
      %swap3A_28 = arith.constant 0 : index
      %swap3A_29 = vector.load %arg4[%swap3A_27, %swap3A_28] : memref<64x128xf32, #tpu.memory_space<vmem>>, vector<64x128xf32>
      tpu.vector_store %arg4[%swap3A_27, %swap3A_28], %reduce_sum3A_26 {strides = array<i32>} : memref<64x128xf32, #tpu.memory_space<vmem>>, vector<64x128xf32>,
    } else {
    }
    return
  }
  func.func @transform_0(%arg0: i32) -> (i32, i32) {
    %c0_i32 = arith.constant 0 : i32
    %c0_i32_0 = arith.constant 0 : i32
    return %arg0, %c0_i32 : i32, i32
  }
  func.func @transform_1(%arg0: i32) -> (i32, i32) {
    %c0_i32 = arith.constant 0 : i32
    %c0_i32_0 = arith.constant 0 : i32
    return %arg0, %c0_i32 : i32, i32
  }
  func.func @transform_2(%arg0: i32) -> (i32, i32, i32) {
    %c0_i32 = arith.constant 0 : i32
    %c0_i32_0 = arith.constant 0 : i32
    %c0_i32_1 = arith.constant 0 : i32
    %c0_i32_2 = arith.constant 0 : i32
    return %c0_i32, %c0_i32_0, %c0_i32_1 : i32, i32, i32
  }
  func.func @transform_3(%arg0: i32) -> (i32, i32) {
    %c0_i32 = arith.constant 0 : i32
    %c0_i32_0 = arith.constant 0 : i32
    %c0_i32_1 = arith.constant 0 : i32
    return %c0_i32, %c0_i32_0 : i32, i32
  }
}

module attributes {stable_mosaic.version = 14 : i64} {
  func.func @_tc_epilogue(%arg0: i32, %arg1: memref<1000x128xf32, #tpu.memory_space<vmem>>, %arg2: memref<1000x64xf32, #tpu.memory_space<vmem>>, %arg3: memref<64x128xf32, #tpu.memory_space<vmem>>, %arg4: memref<2x1000x64xf32, #tpu.memory_space<vmem>>, %arg5: memref<2x1000x16xf32, #tpu.memory_space<vmem>>, %arg6: memref<128x128xf32, #tpu.memory_space<vmem>>, %arg7: memref<1x128xf32, #tpu.memory_space<vmem>>, %arg8: memref<1x128xf32, #tpu.memory_space<vmem>>, %arg9: memref<1x128xf32, #tpu.memory_space<vmem>>, %arg10: memref<1000x128xf32, #tpu.memory_space<vmem>>) attributes {dimension_semantics = [#tpu.dimension_semantics<arbitrary>], iteration_bounds = array<i64: 10>, scalar_prefetch = 0 : i64, scratch_operands = 0 : i64, tpu.core_type = #tpu.core_type<tc>, window_params = [{transform_indices = @transform_0, window_bounds = array<i64: 1000, 128>}, {transform_indices = @transform_1, window_bounds = array<i64: 1000, 64>}, {pipeline_mode = #tpu.pipeline_mode<synchronous>, transform_indices = @transform_2, window_bounds = array<i64: 64, 128>}, {transform_indices = @transform_3, window_bounds = array<i64: 2, 1000, 64>}, {transform_indices = @transform_4, window_bounds = array<i64: 2, 1000, 16>}, {pipeline_mode = #tpu.pipeline_mode<synchronous>, transform_indices = @transform_5, window_bounds = array<i64: 128, 128>}, {pipeline_mode = #tpu.pipeline_mode<synchronous>, transform_indices = @transform_6, window_bounds = array<i64: 1, 128>}, {pipeline_mode = #tpu.pipeline_mode<synchronous>, transform_indices = @transform_7, window_bounds = array<i64: 1, 128>}, {pipeline_mode = #tpu.pipeline_mode<synchronous>, transform_indices = @transform_8, window_bounds = array<i64: 1, 128>}, {transform_indices = @transform_9, window_bounds = array<i64: 1000, 128>}]} {
    %get3A = arith.constant 0 : index
    %get3A_0 = arith.constant 0 : index
    %get3A_1 = vector.load %arg2[%get3A, %get3A_0] : memref<1000x64xf32, #tpu.memory_space<vmem>>, vector<1000x64xf32>
    %get3A_2 = arith.constant 0 : index
    %get3A_3 = arith.constant 0 : index
    %get3A_4 = vector.load %arg3[%get3A_2, %get3A_3] : memref<64x128xf32, #tpu.memory_space<vmem>>, vector<64x128xf32>
    %dot_general3A = arith.constant dense<0.000000e+00> : vector<1000x128xf32>
    %dot_general3A_5 = tpu.matmul %get3A_1, %get3A_4, %dot_general3A {dimension_numbers = #tpu.dot_dimension_numbers<[1], [0], [0], [1], [0, 0, 1, 1], [], []>, transpose_lhs_hint = false} : vector<1000x64xf32>, vector<64x128xf32>, vector<1000x128xf32> -> vector<1000x128xf32>
    %get3A_6 = arith.constant 0 : index
    %get3A_7 = arith.constant 0 : index
    %get3A_8 = arith.constant 0 : index
    %get3A_9 = vector.load %arg5[%get3A_6, %get3A_7, %get3A_8] : memref<2x1000x16xf32, #tpu.memory_space<vmem>>, vector<1x1000x1xf32>
    %get3A_10 = vector.shape_cast %get3A_9 : vector<1x1000x1xf32> to vector<1000x1xf32>
    %get3A_11 = arith.constant 1 : index
    %get3A_12 = arith.constant 0 : index
    %get3A_13 = arith.constant 0 : index
    %get3A_14 = vector.load %arg5[%get3A_11, %get3A_12, %get3A_13] : memref<2x1000x16xf32, #tpu.memory_space<vmem>>, vector<1x1000x1xf32>
    %get3A_15 = vector.shape_cast %get3A_14 : vector<1x1000x1xf32> to vector<1000x1xf32>
    %add3A = arith.addf %get3A_10, %get3A_15 : vector<1000x1xf32>
    %max3A = arith.constant 1.000000e+00 : f32
    %max3A_16 = vector.broadcast %max3A : f32 to vector<1000x1xf32>
    %max3A_17 = arith.maximumf %add3A, %max3A_16 : vector<1000x1xf32>
    %div3A = arith.constant 1.000000e+00 : f32
    %div3A_18 = vector.broadcast %div3A : f32 to vector<1000x1xf32>
    %div3A_19 = arith.divf %div3A_18, %max3A_17 : vector<1000x1xf32>
    %get3A_20 = arith.constant 0 : index
    %get3A_21 = arith.constant 0 : index
    %get3A_22 = arith.constant 0 : index
    %get3A_23 = vector.load %arg4[%get3A_20, %get3A_21, %get3A_22] : memref<2x1000x64xf32, #tpu.memory_space<vmem>>, vector<1x1000x64xf32>
    %get3A_24 = vector.shape_cast %get3A_23 : vector<1x1000x64xf32> to vector<1000x64xf32>
    %mul3A = vector.broadcast %div3A_19 : vector<1000x1xf32> to vector<1000x64xf32>
    %mul3A_25 = arith.mulf %get3A_24, %mul3A : vector<1000x64xf32>
    %get3A_26 = arith.constant 1 : index
    %get3A_27 = arith.constant 0 : index
    %get3A_28 = arith.constant 0 : index
    %get3A_29 = vector.load %arg4[%get3A_26, %get3A_27, %get3A_28] : memref<2x1000x64xf32, #tpu.memory_space<vmem>>, vector<1x1000x64xf32>
    %get3A_30 = vector.shape_cast %get3A_29 : vector<1x1000x64xf32> to vector<1000x64xf32>
    %mul3A_31 = vector.broadcast %div3A_19 : vector<1000x1xf32> to vector<1000x64xf32>
    %mul3A_32 = arith.mulf %get3A_30, %mul3A_31 : vector<1000x64xf32>
    %get3A_33 = arith.constant 0 : index
    %get3A_34 = arith.constant 0 : index
    %get3A_35 = vector.load %arg6[%get3A_33, %get3A_34] : memref<128x128xf32, #tpu.memory_space<vmem>>, vector<128x64xf32>
    %dot_general3A_36 = arith.constant dense<0.000000e+00> : vector<1000x128xf32>
    %dot_general3A_37 = tpu.matmul %mul3A_25, %get3A_35, %dot_general3A_36 {dimension_numbers = #tpu.dot_dimension_numbers<[1], [1], [0], [0], [0, 0, 1, 0], [], []>, transpose_lhs_hint = false} : vector<1000x64xf32>, vector<128x64xf32>, vector<1000x128xf32> -> vector<1000x128xf32>
    %get3A_38 = arith.constant 0 : index
    %get3A_39 = arith.constant 64 : index
    %get3A_40 = vector.load %arg6[%get3A_38, %get3A_39] : memref<128x128xf32, #tpu.memory_space<vmem>>, vector<128x64xf32>
    %dot_general3A_41 = arith.constant dense<0.000000e+00> : vector<1000x128xf32>
    %dot_general3A_42 = tpu.matmul %mul3A_32, %get3A_40, %dot_general3A_41 {dimension_numbers = #tpu.dot_dimension_numbers<[1], [1], [0], [0], [0, 0, 1, 0], [], []>, transpose_lhs_hint = false} : vector<1000x64xf32>, vector<128x64xf32>, vector<1000x128xf32> -> vector<1000x128xf32>
    %add3A_43 = arith.addf %dot_general3A_37, %dot_general3A_42 : vector<1000x128xf32>
    %get3A_44 = arith.constant 0 : index
    %get3A_45 = arith.constant 0 : index
    %get3A_46 = vector.load %arg7[%get3A_44, %get3A_45] : memref<1x128xf32, #tpu.memory_space<vmem>>, vector<1x128xf32>
    %add3A_47 = vector.broadcast %get3A_46 : vector<1x128xf32> to vector<1000x128xf32>
    %add3A_48 = arith.addf %add3A_43, %add3A_47 : vector<1000x128xf32>
    %get3A_49 = arith.constant 0 : index
    %get3A_50 = arith.constant 0 : index
    %get3A_51 = vector.load %arg1[%get3A_49, %get3A_50] : memref<1000x128xf32, #tpu.memory_space<vmem>>, vector<1000x128xf32>
    %add3A_52 = arith.addf %get3A_51, %dot_general3A_5 : vector<1000x128xf32>
    %add3A_53 = arith.addf %add3A_52, %add3A_48 : vector<1000x128xf32>
    %reduce_sum3A = arith.constant dense<0.000000e+00> : vector<1000xf32>
    %reduce_sum3A_54 = vector.multi_reduction <add>, %add3A_53, %reduce_sum3A [1] : vector<1000x128xf32> to vector<1000xf32>
    %broadcast_in_dim3A = vector.shape_cast %reduce_sum3A_54 : vector<1000xf32> to vector<1000x1xf32>
    %div3A_55 = arith.constant 1.280000e+02 : f32
    %div3A_56 = vector.broadcast %div3A_55 : f32 to vector<1000x1xf32>
    %div3A_57 = arith.divf %broadcast_in_dim3A, %div3A_56 : vector<1000x1xf32>
    %sub3A = vector.broadcast %div3A_57 : vector<1000x1xf32> to vector<1000x128xf32>
    %sub3A_58 = arith.subf %add3A_53, %sub3A : vector<1000x128xf32>
    %mul3A_59 = arith.mulf %sub3A_58, %sub3A_58 : vector<1000x128xf32>
    %reduce_sum3A_60 = arith.constant dense<0.000000e+00> : vector<1000xf32>
    %reduce_sum3A_61 = vector.multi_reduction <add>, %mul3A_59, %reduce_sum3A_60 [1] : vector<1000x128xf32> to vector<1000xf32>
    %broadcast_in_dim3A_62 = vector.shape_cast %reduce_sum3A_61 : vector<1000xf32> to vector<1000x1xf32>
    %div3A_63 = arith.constant 1.280000e+02 : f32
    %div3A_64 = vector.broadcast %div3A_63 : f32 to vector<1000x1xf32>
    %div3A_65 = arith.divf %broadcast_in_dim3A_62, %div3A_64 : vector<1000x1xf32>
    %add3A_66 = arith.constant 9.99999974E-6 : f32
    %add3A_67 = vector.broadcast %add3A_66 : f32 to vector<1000x1xf32>
    %add3A_68 = arith.addf %div3A_65, %add3A_67 : vector<1000x1xf32>
    %rsqrt3A = math.rsqrt %add3A_68 : vector<1000x1xf32>
    %mul3A_69 = vector.broadcast %rsqrt3A : vector<1000x1xf32> to vector<1000x128xf32>
    %mul3A_70 = arith.mulf %sub3A_58, %mul3A_69 : vector<1000x128xf32>
    %get3A_71 = arith.constant 0 : index
    %get3A_72 = arith.constant 0 : index
    %get3A_73 = vector.load %arg8[%get3A_71, %get3A_72] : memref<1x128xf32, #tpu.memory_space<vmem>>, vector<1x128xf32>
    %mul3A_74 = vector.broadcast %get3A_73 : vector<1x128xf32> to vector<1000x128xf32>
    %mul3A_75 = arith.mulf %mul3A_70, %mul3A_74 : vector<1000x128xf32>
    %get3A_76 = arith.constant 0 : index
    %get3A_77 = arith.constant 0 : index
    %get3A_78 = vector.load %arg9[%get3A_76, %get3A_77] : memref<1x128xf32, #tpu.memory_space<vmem>>, vector<1x128xf32>
    %add3A_79 = vector.broadcast %get3A_78 : vector<1x128xf32> to vector<1000x128xf32>
    %add3A_80 = arith.addf %mul3A_75, %add3A_79 : vector<1000x128xf32>
    %mul3A_81 = arith.constant 5.000000e-01 : f32
    %mul3A_82 = vector.broadcast %mul3A_81 : f32 to vector<1000x128xf32>
    %mul3A_83 = arith.mulf %mul3A_82, %add3A_80 : vector<1000x128xf32>
    %mul3A_84 = arith.constant 0.707106769 : f32
    %mul3A_85 = vector.broadcast %mul3A_84 : f32 to vector<1000x128xf32>
    %mul3A_86 = arith.mulf %add3A_80, %mul3A_85 : vector<1000x128xf32>
    %erf3A = math.erf %mul3A_86 : vector<1000x128xf32>
    %add3A_87 = arith.constant 1.000000e+00 : f32
    %add3A_88 = vector.broadcast %add3A_87 : f32 to vector<1000x128xf32>
    %add3A_89 = arith.addf %add3A_88, %erf3A : vector<1000x128xf32>
    %mul3A_90 = arith.mulf %mul3A_83, %add3A_89 : vector<1000x128xf32>
    %swap3A = arith.constant 0 : index
    %swap3A_91 = arith.constant 0 : index
    %swap3A_92 = vector.load %arg10[%swap3A, %swap3A_91] : memref<1000x128xf32, #tpu.memory_space<vmem>>, vector<1000x128xf32>
    tpu.vector_store %arg10[%swap3A, %swap3A_91], %mul3A_90 {strides = array<i32>} : memref<1000x128xf32, #tpu.memory_space<vmem>>, vector<1000x128xf32>,
    return
  }
  func.func @transform_0(%arg0: i32) -> (i32, i32) {
    %c0_i32 = arith.constant 0 : i32
    %c0_i32_0 = arith.constant 0 : i32
    return %arg0, %c0_i32 : i32, i32
  }
  func.func @transform_1(%arg0: i32) -> (i32, i32) {
    %c0_i32 = arith.constant 0 : i32
    %c0_i32_0 = arith.constant 0 : i32
    return %arg0, %c0_i32 : i32, i32
  }
  func.func @transform_2(%arg0: i32) -> (i32, i32) {
    %c0_i32 = arith.constant 0 : i32
    %c0_i32_0 = arith.constant 0 : i32
    %c0_i32_1 = arith.constant 0 : i32
    return %c0_i32, %c0_i32_0 : i32, i32
  }
  func.func @transform_3(%arg0: i32) -> (i32, i32, i32) {
    %c0_i32 = arith.constant 0 : i32
    %c0_i32_0 = arith.constant 0 : i32
    %c0_i32_1 = arith.constant 0 : i32
    return %c0_i32, %arg0, %c0_i32_0 : i32, i32, i32
  }
  func.func @transform_4(%arg0: i32) -> (i32, i32, i32) {
    %c0_i32 = arith.constant 0 : i32
    %c0_i32_0 = arith.constant 0 : i32
    %c0_i32_1 = arith.constant 0 : i32
    return %c0_i32, %arg0, %c0_i32_0 : i32, i32, i32
  }
  func.func @transform_5(%arg0: i32) -> (i32, i32) {
    %c0_i32 = arith.constant 0 : i32
    %c0_i32_0 = arith.constant 0 : i32
    %c0_i32_1 = arith.constant 0 : i32
    return %c0_i32, %c0_i32_0 : i32, i32
  }
  func.func @transform_6(%arg0: i32) -> (i32, i32) {
    %c0_i32 = arith.constant 0 : i32
    %c0_i32_0 = arith.constant 0 : i32
    %c0_i32_1 = arith.constant 0 : i32
    return %c0_i32, %c0_i32_0 : i32, i32
  }
  func.func @transform_7(%arg0: i32) -> (i32, i32) {
    %c0_i32 = arith.constant 0 : i32
    %c0_i32_0 = arith.constant 0 : i32
    %c0_i32_1 = arith.constant 0 : i32
    return %c0_i32, %c0_i32_0 : i32, i32
  }
  func.func @transform_8(%arg0: i32) -> (i32, i32) {
    %c0_i32 = arith.constant 0 : i32
    %c0_i32_0 = arith.constant 0 : i32
    %c0_i32_1 = arith.constant 0 : i32
    return %c0_i32, %c0_i32_0 : i32, i32
  }
  func.func @transform_9(%arg0: i32) -> (i32, i32) {
    %c0_i32 = arith.constant 0 : i32
    %c0_i32_0 = arith.constant 0 : i32
    return %arg0, %c0_i32 : i32, i32
  }
}

</mosaic_0001>

<sc_bundles>
// kernel: kernel.5.cloned.1.call-start
scs
__scs_entry_jumppad:
0x0: {  	(pc) =	sbr.rel $0x88, $3  }
0x1: {  	(tag) =	ssettag $0x0;
	lr =	simm.s32 $0x1  }
0x2: {  	[smem:$0x3F99] =	sst lr;
	_ =	strace $0xD0000000  }
0x3: {  	_ = 	snop  }
0x4: {  	_ = 	snop  }
0x5: {  	_ = 	snop  }
0x6: {  	_ = 	snop  }
0x7: {  	_ = 	snop  }
__scs_overlays_trampoline_lowered:
0x8: {  	[smem:$0x3FA8] =	sst s0  }
0x9: {  	[smem:$0x3FA9] =	sst s1  }
0xa: {  	[smem:$0x3FAA] =	sst s2  }
0xb: {  	[smem:$0x3FAB] =	sst s3  }
0xc: {  	[smem:$0x3FAC] =	sst s4  }
0xd: {  	[smem:$0x3FAD] =	sst s5  }
0xe: {  	[smem:$0x3FAE] =	sst s6  }
0xf: {  	[smem:$0x3FAF] =	sst s7  }
0x10: {  	[smem:$0x3FB0] =	sst s8  }
0x11: {  	[smem:$0x3FB1] =	sst s9;
	s0 =	simm.s32 @!p0 $0x0  }
0x12: {  	s1 =	sld [smem:$0x3F97];
	s0 =	simm.s32 @p0 $0x1  }
0x13: {  	[smem:$0x3FB2] =	sst s0;
	s0 =	simm.s32 @!p1 $0x0  }
0x14: {  	s2 =	sld [smem:$0x3F96];
	s0 =	simm.s32 @p1 $0x1  }
0x15: {  	[smem:$0x3FB3] =	sst s0;
	s0 =	simm.s32 @!p2 $0x0  }
0x16: {  	s3 =	sld [smem:$0x3FDB];
	s0 =	simm.s32 @p2 $0x1  }
0x17: {  	s4 =	simm.s32 $0x1BF5;
	[smem:$0x3FB5] =	sst s0  }
0x18: {  	s0 =	sld [smem:$0x3F98];
	_ =	swait.ge [sflag:s4], $0x0  }
0x19: {  	s7 =	sld [smem:$0x3F99]  }
0x1a: {  	s8 =	sadd.s32 $0xFFFFE003, lr  }
0x1b: {  	s9 =	sadd.s32 $0xFFFFFEF7, lr;
	s5 =	simm.s32 $0xFFFFFFFF;
	p2 =	slt.u32 s8, $0xFFFFF086  }
0x1c: {  	p1 =	slt.u32 s9, $0xF7A;
	s5 =	simm.s32 @!p2 $0x0  }
0x1d: {  	s5 =	simm.s32 @p1 $0x1;
	p0 =	seq.s32 s7, s2  }
0x1e: {  	s7 =	smul.u32 @!p0 $0xF7A, s2;
	p2 =	seq.s32 @!p0 s5, $0x0  }
0x1f: {  	s9 =	smul.u32 $0xF7A, s1;
	s8 =	simm.s32 @!p0 $0x1BF5;
	p2 =	por !p2, p0  }
0x20: {  	[sflag:s8] =	ssyncset.s32 @!p0 $0xFFFFF086;
	s6 =	sadd.s32 @!p0 s3, s7;
	s7 =	simm.s32 @!p0 $0x108  }
0x21: {  	s3 =	sadd.s32 s3, s9;
	s6 =	sadd.s32 @!p0 $0x88, s6;
	s7 =	simm.s32 @p2 $0x1082  }
0x22: {  	[simem:s7], [sflag:s8] =	dma.local @!p0 [hbm:s6], $0xF7A  }
0x23: {  	s9 =	sor.u32 $0xD0000000, s2;
	s6 =	simm.s32 $0x108;
	_ =	swait.ge @!p0 [sflag:s8], $0x0  }
0x24: {  	s3 =	sadd.s32 $0x88, s3;
	s6 =	simm.s32 @!p1 $0x1082;
	[sflag:s4] =	ssyncset.s32 $0xFFFFF086  }
0x25: {  	[simem:s6], [sflag:s4] =	dma.local [hbm:s3], $0xF7A  }
0x26: {  	[smem:$0x3F99] =	sst s1;
	(tag) =	ssettag s2;
	_ =	strace s9  }
0x27: {  	s1 =	sld [smem:$0x3FA9]  }
0x28: {  	s2 =	sld [smem:$0x3FAA]  }
0x29: {  	s4 =	sld [smem:$0x3FAC]  }
0x2a: {  	p0 =	seq.s32 s5, $0x0;
	s5 =	sld [smem:$0x3FAD]  }
0x2b: {  	s6 =	sld [smem:$0x3FAE]  }
0x2c: {  	s7 =	sld [smem:$0x3FAF]  }
0x2d: {  	s3 =	simm.s32 $0x108;
	s8 =	sld [smem:$0x3FB0]  }
0x2e: {  	s3 =	simm.s32 @!p0 $0x1082;
	s9 =	sld [smem:$0x3FB1]  }
0x2f: {  	lr =	sadd.s32 s0, s3;
	s0 =	sld [smem:$0x3FA8]  }
0x30: {  	s3 =	sld [smem:$0x3FAB]  }
0x31: {  	[smem:$0x3FB4] =	sst s10  }
0x32: {  	s10 =	sld [smem:$0x3FB2];
	_ =	sdelay $0x3  }
0x33: {  	p0 =	seq.s32 s10, $0x1;
	s10 =	sld [smem:$0x3FB4];
	_ =	sdelay $0x3  }
0x34: {  	[smem:$0x3FB4] =	sst s10  }
0x35: {  	s10 =	sld [smem:$0x3FB3];
	_ =	sdelay $0x3  }
0x36: {  	p1 =	seq.s32 s10, $0x1;
	s10 =	sld [smem:$0x3FB4];
	_ =	sdelay $0x3  }
0x37: {  	[smem:$0x3FB4] =	sst s10  }
0x38: {  	s10 =	sld [smem:$0x3FB5]  }
0x39: {  	_ = 	snop;
	(pc) =	sbr.ind lr, $3  }
0x3a: {  	_ = 	snop  }
0x3b: {  	_ = 	snop  }
0x3c: {  	p2 =	seq.s32 s10, $0x1;
	s10 =	sld [smem:$0x3FB4]  }
0x3d: {  	_ =	shalt  }
0x3e: {  	_ =	shalt  }
0x3f: {  	_ =	shalt  }
0x40: {  	_ =	shalt  }
0x41: {  	_ =	shalt  }
0x42: {  	_ =	shalt  }
0x43: {  	_ =	shalt  }
0x44: {  	_ =	shalt  }
0x45: {  	_ =	shalt  }
0x46: {  	_ =	shalt  }
0x47: {  	_ =	shalt  }
0x48: {  	_ =	shalt  }
0x49: {  	_ =	shalt  }
0x4a: {  	_ =	shalt  }
0x4b: {  	_ =	shalt  }
0x4c: {  	_ =	shalt  }
0x4d: {  	_ =	shalt  }
0x4e: {  	_ =	shalt  }
0x4f: {  	_ =	shalt  }
0x50: {  	_ =	shalt  }
0x51: {  	_ =	shalt  }
0x52: {  	_ =	shalt  }
0x53: {  	_ =	shalt  }
0x54: {  	_ =	shalt  }
0x55: {  	_ =	shalt  }
0x56: {  	_ =	shalt  }
0x57: {  	_ =	shalt  }
0x58: {  	_ =	shalt  }
0x59: {  	_ =	shalt  }
0x5a: {  	_ =	shalt  }
0x5b: {  	_ =	shalt  }
0x5c: {  	_ =	shalt  }
0x5d: {  	_ =	shalt  }
0x5e: {  	_ =	shalt  }
0x5f: {  	_ =	shalt  }
0x60: {  	_ =	shalt  }
0x61: {  	_ =	shalt  }
0x62: {  	_ =	shalt  }
0x63: {  	_ =	shalt  }
0x64: {  	_ =	shalt  }
0x65: {  	_ =	shalt  }
0x66: {  	_ =	shalt  }
0x67: {  	_ =	shalt  }
0x68: {  	_ =	shalt  }
0x69: {  	_ =	shalt  }
0x6a: {  	_ =	shalt  }
0x6b: {  	_ =	shalt  }
0x6c: {  	_ =	shalt  }
0x6d: {  	_ =	shalt  }
0x6e: {  	_ =	shalt  }
0x6f: {  	_ =	shalt  }
0x70: {  	_ =	shalt  }
0x71: {  	_ =	shalt  }
0x72: {  	_ =	shalt  }
0x73: {  	_ =	shalt  }
0x74: {  	_ =	shalt  }
0x75: {  	_ =	shalt  }
0x76: {  	_ =	shalt  }
0x77: {  	_ =	shalt  }
0x78: {  	_ =	shalt  }
0x79: {  	_ =	shalt  }
0x7a: {  	_ =	shalt  }
0x7b: {  	_ =	shalt  }
0x7c: {  	_ =	shalt  }
0x7d: {  	_ =	shalt  }
0x7e: {  	_ =	shalt  }
0x7f: {  	_ =	shalt  }
0x80: {  	_ =	shalt  }
0x81: {  	_ =	shalt  }
0x82: {  	_ =	shalt  }
0x83: {  	_ =	shalt  }
0x84: {  	_ =	shalt  }
0x85: {  	_ =	shalt  }
0x86: {  	_ =	shalt  }
0x87: {  	_ =	shalt  }
.Lfunc_end0:
.L_simem_size_0:
called_computation_lowered:
.L_overlay_start_0:
0x88: {  	s2 =	sld [smem:$0x3FD9]  }
0x89: {  	s3 =	sld [smem:$0x3FFE];
	_ =	sdelay $0x1  }
0x8a: {  	s1 =	srdreg.scid  }
0x8b: {  	s0 =	sand.u32 $0x1, s1  }
0x8c: {  	s17 =	sshll.u32 s0, $0xA;
	s2 =	sadd.s32 s3, s2  }
0x8d: {  	s2 =	sadd.s32 s2, s17  }
0x8e: {  	[smem:$0x3FC0] =	sst s2  }
0x8f: {  	_ = 	snop  }
0x90: {  	s2 =	sld [smem:$0x3FD0];
	(tm) =	ssettm $0x1  }
0x91: {  	s18 =	sld [smem:$0x3FFB];
	_ =	sdelay $0x3  }
0x92: {  	_ =	strace s18  }
0x93: {  	s3 =	sld [smem:$0x3FFC];
	_ =	sdelay $0x3  }
0x94: {  	_ =	strace s3  }
0x95: {  	s3 =	sld [smem:$0x3FFD];
	_ =	sdelay $0x3  }
0x96: {  	_ =	strace s3  }
0x97: {  	_ =	strace $0x8FFFFFFF  }
0x98: {  	s19 =	sld [smem:$0x3FDB];
	_ =	sdelay $0x1  }
0x99: {  	s4 =	simm.s32 $_scs_section_size  }
0x9a: {  	s5 =	simm.s32 $_size__tile_overlayer_lowered;
	s6 =	simm.s32 $_tile_overlayer_lowered  }
0x9b: {  	s22 =	simm.s32 $0x1BFF;
	s21 =	sshll.u32 s6, $0x1;
	s3 =	sadd.s32 s4, s19  }
0x9c: {  	s7 =	simm.s32 $0x0;
	s20 =	sshll.u32 s5, $0x1;
	s5 =	sadd.s32 s21, s3  }
0x9d: {  	[timem:s7], [sflag:s22] =	dma.local [hbm:s5], s20  }
0x9e: {  	_ =	swait.ge [sflag:s22], s20  }
0x9f: {  	s4 =	ssub.s32 $0x0, s20;
	[sflag:s22] =	ssyncset.done $0x0  }
0xa0: {  	[sflag:s22] =	ssyncadd.s32 s4;
	_ =	sdelay $0x1  }
0xa1: {  	s23 =	simm.s32 $0x1B8B  }
0xa2: {  	_ =	swait.ge [sflag:s23], $0x1  }
0xa3: {  	[sflag:s23] =	ssyncset.done $0x0  }
0xa4: {  	s25 =	simm.s32 $0x1B8E;
	s24 =	sld [smem:$0x3FFE];
	[sflag:s23] =	ssyncadd.s32 $0xFFFFFFFF  }
0xa5: {  	s26 =	simm.s32 $execute0_lowered;
	[smem:$0x3FD2] =	sst s25  }
0xa6: {  	s5 =	sshll.u32 s26, $0x1;
	_ =	strace $0x80000046;
	[dreg:$0x1] =	wrdreg $0xFFFFFFFF  }
0xa7: {  	s28 =	simm.s32 $_size_execute0_lowered;
	s3 =	sadd.s32 s3, s5;
	[dreg:$0x0] =	wrdreg $0x0  }
0xa8: {  	s5 =	sshll.u32 s28, $0x1;
	[dreg:$0x2] =	wrdreg s3  }
0xa9: {  	[dreg:$0x3] =	wrdreg s5  }
0xaa: {  	[dreg:$0x4] =	wrdreg $0xC0  }
0xab: {  	_ =	task [dreg:s7], $0x5FFFF  }
0xac: {  	[dreg:$0x1] =	wrdreg $0xFFFFFFFF  }
0xad: {  	[dreg:$0x0] =	wrdreg $0x60  }
0xae: {  	[dreg:$0x2] =	wrdreg s24  }
0xaf: {  	[dreg:$0x3] =	wrdreg s2  }
0xb0: {  	[dreg:$0x4] =	wrdreg $0x0  }
0xb1: {  	[dreg:$0x5] =	wrdreg $0xA0000  }
0xb2: {  	[dreg:$0x6] =	wrdreg $0x9  }
0xb3: {  	_ =	task.clear_ibuf [dreg:s7], $0x7FFFF;
	_ =	strace $0x90000046  }
0xb4: {  	s29 =	simm.s32 $0x9;
	_ =	strace $0x80000048  }
0xb5: {  	_ =	swait.ge [sflag:s29], $0x1  }
0xb6: {  	[sflag:s29] =	ssyncadd.s32 $0xFFFFFFFF  }
0xb7: {  	_ =	strace $0x90000048  }
0xb8: {  	_ =	sfence  }
0xb9: {  	s30 =	sld [smem:$0x0];
	_ =	sdelay $0x2  }
0xba: {  	s31 =	sshll.u32 s1, $0xD;
	s1 =	sshrl.u32 s1, $0x2  }
0xbb: {  	s3 =	sand.u32 $0x4000, s31;
	s1 =	sadd.s32 s1, s30  }
0xbc: {  	s0 =	sor.u32 s3, s0;
	s1 =	sshll.u32 s1, $0x11  }
0xbd: {  	s0 =	sor.u32 s1, s0  }
0xbe: {  	s0 =	sadd.s32 $0x8F2B, s0  }
0xbf: {  	[sflag:s0] =	ssyncadd.remote.s32 $0x1  }
0xc0: {  	_ =	sfence.sel $0xFFFF  }
0xc1: {  	[dreg:$0x0] =	wrdreg $0xFFFFFFFF;
	(pc) =	sbr.abs _section_cstart, $3  }
0xc2: {  	[dreg:$0x1] =	wrdreg $0xFFFFFFFF  }
0xc3: {  	_ =	task.clear_ibuf [dreg:s7], $0x2FFFF;
	_ =	strace $0x9FFFFFFF  }
0xc4: {  	(tm) =	ssettm $0x7FFFFFFF  }
0xc5: {  	_ =	shalt  }
tec
execute0_lowered:
.L_overlay_start_1:
0x0: {  	(tag) =	ssettag $0x1  }
0x1: {  	s8 =	rddreg [dreg:$0x0]  }
0x2: {  	s12 =	rddreg [dreg:$0x1]  }
0x3: {  	s1 =	rddreg [dreg:$0x2];
	s0 =	srdreg.scid  }
0x4: {  	s3 =	rddreg [dreg:$0x3];
	s2 =	stileid.u32  }
0x5: {  	s4 =	simm.s32 $0x0;
	s21 =	simm.s32 $0x1;
	s6 =	smul.u32 $0x9C4, s2  }
0x6: {  	s22 =	simm.s32 $0x2;
	s23 =	simm.s32 $0x0;
	s10 =	smul.u32 $0xA000, s2  }
0x7: {  	s19 =	sand.u32 $0x1, s0;
	s0 =	rddreg [dreg:$0x4];
	s15 =	smul.u32 $0x2800, s2  }
0x8: {  	[smem:$0x7FF] =	sst s4;
	s7 =	sadd.s32 $0x3D000, s8;
	s5 =	smul.u32 $0x14000, s19  }
0x9: {  	s31 =	sshll.u32 s2, $0x6;
	_ =	strace $0x80000047;
	s9 =	smul.u32 $0xA0000, s19  }
0xa: {  	s14 =	ssub.s32 $0x2, s19;
	s17 =	smul.u32 $0x28000, s19;
	p0 =	seq.s32 s19, $0x0  }
0xb: {  	s19 =	simm.s32 $0x50;
	s13 =	sadd.s32 s6, s8;
	s6 =	sadd.s32 $0x3D600, s8  }
0xc: {  	s29 =	sshrl.u32 s14, $0x1;
	s18 =	sadd.s32 s10, s1;
	s20 =	sadd.s32 s15, s3  }
0xd: {  	s21 =	simm.s32 @!p0 $0x0;
	s11 =	sadd.s32 s5, s8;
	s5 =	sadd.s32 $0x3CE00, s8  }
0xe: {  	s9 =	sadd.s32 s10, s9;
	s14 =	ssub.s32 s14, s29;
	s30 =	sadd.s32 s15, s17  }
0xf: {  	s15 =	simm.s32 $0x17840;
	s17 =	sshrl.u32 s18, $0x3;
	s9 =	sshrl.u32 s9, $0x3  }
0x10: {  	s18 =	sshrl.u32 s20, $0x3;
	s20 =	simm.s32 $0x16440;
	s16 =	sadd.s32 s9, s8  }
0x11: {  	s8 =	sadd.s32 $0xB000, s13;
	s9 =	sadd.s32 $0x1200, s13;
	s13 =	sshrl.u32 s30, $0x3  }
0x12: {  	s10 =	sadd.s32 $0x14E00, s11;
	s11 =	sadd.s32 $0x3EA00, s16;
	s12 =	sadd.s32 s12, s13  }
0x13: {  	s13 =	smax.u32 s14, $0x1;
	s14 =	simm.s32 $0x1;
	s16 =	sor.u32 $0x1C01, s31  }
.LBB2_1:
0x14: {  	s25 =	simm.s32 $0xC800  }
0x15: {  	[tilespmem:s25], [sflag:$0x1] =	stream.linear.gather [hbm4b:s8+s4], $0x4E20, $0x38;
	[tilespmem:$0x17D40] =	vst v63  }
0x16: {  	_ =	swait.ge [sflag:s14], $0x4E20  }
0x17: {  	[sflag:s14] =	ssyncset.done $0x0  }
0x18: {  	s24 =	simm.s32 $0x11620;
	[sflag:s14] =	ssyncadd.s32 $0xFFFFB1E0  }
0x19: {  	[tilespmem:s24], [sflag:$0x1] =	stream.linear.gather [hbm4b:s9+s4], $0x4E20, $0x38;
	[tilespmem:$0x17D40] =	vst v63  }
0x1a: {  	_ =	swait.ge [sflag:s14], $0x4E20  }
0x1b: {  	[sflag:s14] =	ssyncset.done $0x0  }
0x1c: {  	[sflag:s14] =	ssyncadd.s32 $0xFFFFB1E0  }
0x1d: {  	[tilespmem:s15], [sflag:$0x1] =	stream.linear.gather [hbm4b:s5+s4], $0x500, $0x38;
	[tilespmem:$0x17D40] =	vst v63  }
0x1e: {  	_ =	swait.ge [sflag:s14], $0x500  }
0x1f: {  	[sflag:s14] =	ssyncset.done $0x0  }
0x20: {  	[sflag:s14] =	ssyncadd.s32 $0xFFFFFB00  }
0x21: {  	[spmem:s17], [sflag:s16] =	dma.local [hbm:s6], $0x1400  }
0x22: {  	_ =	swait.ge [sflag:s14], $0x1400  }
0x23: {  	[sflag:s14] =	ssyncset.done $0x0  }
0x24: {  	[sflag:s14] =	ssyncadd.s32 $0xFFFFEC00  }
0x25: {  	[spmem:s18], [sflag:s16] =	dma.local [hbm:s7], $0x500  }
0x26: {  	_ =	swait.ge [sflag:s14], $0x500  }
0x27: {  	[sflag:s14] =	ssyncset.done $0x0  }
0x28: {  	[sflag:s14] =	ssyncadd.s32 $0xFFFFFB00  }
0x29: {  	[bflag:$0x0] =	sbarrier.arrive $0xFFFF  }
0x2a: {  	[tilespmem:s20], [sflag:$0x2] =	stream.indirect.gather [hbm4b:s10+s19], $0x40, s25, s19, $0xb8;
	[tilespmem:$0x17D40] =	vst v63  }
0x2b: {  	_ =	swait.ge [sflag:s22], $0x1400  }
0x2c: {  	p0 =	por $0x0, $0x0;
	s25 =	simm.s32 $0x1;
	[sflag:s22] =	ssyncset.done $0x0  }
0x2d: {  	s25 =	simm.s32 @!p0 $0x0;
	[sflag:s22] =	ssyncadd.s32 $0xFFFFEC00  }
0x2e: {  	[spmem:s1] =	stream.indirect.scatter.add.f32 [tilespmem:s20], [sflag:$0x2], $0x40, s24, s19, $0xb8;
	[tilespmem:$0x17D40] =	vst v63  }
0x2f: {  	p0 =	seq.s32 s21, s25;
	_ =	swait.ge [sflag:s22], $0x1400  }
0x30: {  	s25 =	simm.s32 @!p0 $0x50;
	[sflag:s22] =	ssyncset.done $0x0  }
0x31: {  	s26 =	simm.s32 @!p0 $0x17840;
	s28 =	simm.s32 @!p0 $0x1;
	[sflag:s22] =	ssyncadd.s32 $0xFFFFEC00  }
0x32: {  	[spmem:s3] =	stream.indirect.scatter.add.f32 @!p0 [tilespmem:s26], [sflag:$0x1], $0x10, s24, s25, $0xb8;
	[tilespmem:$0x17D40] =	vst v63  }
0x33: {  	s25 =	simm.s32 $0x1;
	s26 =	simm.s32 $0xC850;
	_ =	swait.ge @!p0 [sflag:s28], $0x500  }
.LBB2_2:
0x34: {  	[sflag:s28] =	ssyncset.done @!p0 $0x0  }
0x35: {  	s24 =	sadd.s32 $0x50, s24;
	s29 =	smov.u32 s25;
	s25 =	sadd.s32 $0x1, s25  }
0x36: {  	p1 =	sne.s32 s25, $0xFA;
	[sflag:s28] =	ssyncadd.s32 @!p0 $0xFFFFFB00  }
0x37: {  	[tilespmem:s20], [sflag:$0x2] =	stream.indirect.gather [hbm4b:s10+s19], $0x40, s26, s19, $0xb8;
	[tilespmem:$0x17D40] =	vst v63  }
0x38: {  	_ =	swait.ge [sflag:s22], $0x1400  }
0x39: {  	p0 =	sgt.u32 s29, $0x7C;
	s28 =	simm.s32 $0x1;
	[sflag:s22] =	ssyncset.done $0x0  }
0x3a: {  	s28 =	simm.s32 @!p0 $0x0;
	[sflag:s22] =	ssyncadd.s32 $0xFFFFEC00  }
0x3b: {  	[spmem:s1] =	stream.indirect.scatter.add.f32 [tilespmem:s20], [sflag:$0x2], $0x40, s24, s19, $0xb8;
	[tilespmem:$0x17D40] =	vst v63  }
.Ltmp0:
0x3c: {  	p0 =	seq.s32 s21, s28;
	_ =	swait.ge [sflag:s22], $0x1400;
	(pc) =	sbr.rel @p1 .LBB2_2-.Ltmp0, $4  }
0x3d: {  	s29 =	simm.s32 @!p0 $0x50;
	s30 =	simm.s32 @!p0 $0x17840;
	[sflag:s22] =	ssyncset.done $0x0  }
0x3e: {  	s28 =	simm.s32 @!p0 $0x1;
	[sflag:s22] =	ssyncadd.s32 $0xFFFFEC00  }
0x3f: {  	[spmem:s3] =	stream.indirect.scatter.add.f32 @!p0 [tilespmem:s30], [sflag:$0x1], $0x10, s24, s29, $0xb8;
	[tilespmem:$0x17D40] =	vst v63  }
0x40: {  	s26 =	sadd.s32 $0x50, s26;
	_ =	swait.ge @!p0 [sflag:s28], $0x500  }
0x41: {  	[sflag:s28] =	ssyncset.done @!p0 $0x0  }
0x42: {  	[sflag:s28] =	ssyncadd.s32 @!p0 $0xFFFFFB00  }
0x43: {  	[bflag:$0x0] =	sbarrier.arrive $0xFFFF  }
0x44: {  	[hbm:s11], [sflag:s16] =	dma.local [spmem:s17], $0x1400  }
0x45: {  	s23 =	sadd.s32 $0x1, s23;
	_ =	swait.ge [sflag:s14], $0x1400  }
0x46: {  	p0 =	sne.s32 s23, s13;
	[sflag:s14] =	ssyncset.done $0x0  }
.Ltmp1:
0x47: {  	[sflag:s14] =	ssyncadd.s32 $0xFFFFEC00;
	(pc) =	sbr.rel @p0 .LBB2_1-.Ltmp1, $4  }
0x48: {  	[hbm:s12], [sflag:s16] =	dma.local [spmem:s18], $0x500  }
0x49: {  	_ =	swait.ge [sflag:s14], $0x500  }
0x4a: {  	[sflag:s14] =	ssyncset.done $0x0  }
0x4b: {  	[sflag:s14] =	ssyncadd.s32 $0xFFFFFB00  }
0x4c: {  	_ =	sfence.sel $0x180000  }
0x4d: {  	[bflag:$0x0] =	sbarrier.arrive $0xFFFF  }
0x4e: {  	p0 =	sne.s32 s2, $0x0;
	_ =	strace $0x90000047  }
0x4f: {  	s0 =	sadd.s32 @!p0 $0x100000, s0;
	[bflag:$0x2] =	sbarrier.arrive $0xFFFF  }
0x50: {  	[sflag:s0] =	ssyncadd.tile.s32 @!p0 $0x1;
	_ =	shalt  }
.Lfunc_end2:
_tile_overlayer_lowered:
.L_overlay_start_2:
0x51: {  	(tag) =	ssettag $0x2  }
0x52: {  	s0 =	rddreg [dreg:$0x0];
	s2 =	stileid.u32  }
0x53: {  	s1 =	rddreg [dreg:$0x1];
	p0 =	sne.s32 s2, $0x0  }
0x54: {  	s3 =	rddreg [dreg:$0x2];
	[bflag:$0x3] =	sbarrier.arrive $0xFFFF;
	s2 =	simm.s32 @!p0 $0x1C01  }
0x55: {  	[timem:s3], [sflag:s2] =	dma.local @!p0 [hbm:s0], s1  }
0x56: {  	s0 =	simm.s32 @!p0 $0x1  }
0x57: {  	_ =	swait.ge @!p0 [sflag:s0], s1  }
0x58: {  	s1 =	ssub.s32 @!p0 $0x0, s1;
	[sflag:s0] =	ssyncset.done @!p0 $0x0  }
0x59: {  	[sflag:s0] =	ssyncadd.s32 @!p0 s1  }
0x5a: {  	[bflag:$0x3] =	sbarrier.arrive $0xFFFF  }
0x5b: {  	_ =	shalt  }

</sc_bundles>
